<compile_context>
chip_gen: v7x
topology: tpu7x:2x2x1
jax: 0.10.2.dev20260603
libtpu: 0.0.44.dev20260713+nightly
codegen_flags: <defaults>
</compile_context>

<pallas_src>
import functools

import jax
import jax.numpy as jnp
from jax import lax
from jax.experimental import pallas as pl
from jax.experimental.pallas import tpu as pltpu
from jax.experimental.pallas import tpu_sc as plsc

_N = 4096
_T = 128
_NC = 1
_NS = 16
_NW = _NC * _NS
_CHUNK = _N // _NW
_STATS = 3
_LANES = 16


def _sc_body(preds_hbm, times_hbm, obs_hbm, out_hbm,
             p_v, t_v, o_v, acc_v, sem_p, sem_t, sem_o):
    wid = lax.axis_index("s") * _NC + lax.axis_index("c")
    base = wid * _CHUNK
    cp_p = pltpu.async_copy(preds_hbm.at[pl.ds(base, _CHUNK)], p_v, sem_p)
    cp_t = pltpu.async_copy(times_hbm.at[pl.ds(base, _CHUNK)], t_v, sem_t)
    cp_o = pltpu.async_copy(obs_hbm.at[pl.ds(base, _CHUNK)], o_v, sem_o)
    zeros = jnp.zeros((_LANES,), jnp.float32)

    def zbody(i, carry):
        acc_v[pl.ds(i * _LANES, _LANES)] = zeros
        return carry

    lax.fori_loop(0, _STATS * _T // _LANES, zbody, 0)
    cp_p.wait()
    cp_t.wait()
    cp_o.wait()

    def sbody(i, carry):
        sl = pl.ds(i * _LANES, _LANES)
        t = t_v[sl]
        p = p_v[sl]
        ob = o_v[sl].astype(jnp.float32)
        ep = jnp.exp(p)
        plsc.addupdate_scatter(acc_v, [t], p)
        plsc.addupdate_scatter(acc_v, [t + _T], ep)
        plsc.addupdate_scatter(acc_v, [t + 2 * _T], 1.0 + ob * (2.0 ** -12))
        return carry

    pltpu.sync_copy(acc_v, out_hbm.at[wid])


@functools.cache
def _sc_hist():
    return pl.kernel(
        _sc_body,
        mesh=plsc.VectorSubcoreMesh(core_axis_name="c", subcore_axis_name="s",
                                    num_cores=_NC),
        out_type=jax.ShapeDtypeStruct((_NW, _STATS * _T), jnp.float32),
        scratch_types=[
            pltpu.VMEM((_CHUNK,), jnp.float32),
            pltpu.VMEM((_CHUNK,), jnp.int32),
            pltpu.VMEM((_CHUNK,), jnp.int32),
            pltpu.VMEM((_STATS * _T,), jnp.float32),
            pltpu.SemaphoreType.DMA,
            pltpu.SemaphoreType.DMA,
            pltpu.SemaphoreType.DMA,
        ],
        compiler_params=pltpu.CompilerParams(needs_layout_passes=False),
    )


def _tc_body(part_ref, out_ref):
    part = part_ref[...]
    s1 = jnp.sum(part[:, 0 * _T:1 * _T], axis=0, keepdims=True)
    e = jnp.sum(part[:, 1 * _T:2 * _T], axis=0, keepdims=True)
    v = jnp.sum(part[:, 2 * _T:3 * _T], axis=0, keepdims=True)
    m = jnp.floor(v)
    ob = v - m

    ia = lax.broadcasted_iota(jnp.int32, (_T, _T), 0)
    ib = lax.broadcasted_iota(jnp.int32, (_T, _T), 1)
    suffix = (ia >= ib).astype(jnp.float32)
    eg = jnp.broadcast_to(e, (_T, _T))
    rg = jnp.dot(jnp.broadcast_to(e, (8, _T)), suffix,
                 preferred_element_type=jnp.float32)
    rg = jnp.broadcast_to(rg[0:1, :], (_T, _T))
    mg = jnp.broadcast_to(m, (_T, _T))
    msafe = jnp.maximum(mg, 1.0)
    rowf = ia.astype(jnp.float32)

    mask = rowf < mg
    arg = rg - (rowf / msafe) * eg
    safe = jnp.where(mask, arg, 1.0)
    sumlog = jnp.sum(jnp.where(mask, jnp.log(safe), 0.0),
                     axis=0, keepdims=True)

    nblocks = (jnp.max(m).astype(jnp.int32) + 7) // 8
    e8 = jnp.broadcast_to(e, (8, _T))
    r8 = jnp.broadcast_to(rg[0:1, :], (8, _T))
    m8 = jnp.broadcast_to(m, (8, _T))
    msafe8 = jnp.maximum(m8, 1.0)
    rowf8 = lax.broadcasted_iota(jnp.int32, (8, _T), 0).astype(jnp.float32)

    def body(i, acc):
        lf = rowf8 + 8.0 * i.astype(jnp.float32)
        tmask = lf < m8
        targ = r8 - (lf / msafe8) * e8
        tsafe = jnp.where(tmask, targ, 1.0)
        return acc + jnp.sum(jnp.where(tmask, jnp.log(tsafe), 0.0),
                             axis=0, keepdims=True)

    sumlog = lax.fori_loop(_T // 8, nblocks, body, sumlog)
    term = jnp.where(ob > 0.0, s1 - sumlog, 0.0)
    out_ref[0, 0] = -jnp.sum(term)


@functools.cache
def _tc_finish():
    return pl.pallas_call(
        _tc_body,
        out_shape=jax.ShapeDtypeStruct((1, 1), jnp.float32),
        out_specs=pl.BlockSpec(memory_space=pltpu.SMEM),
    )


def kernel(preds, failure_times, is_observed):
    partials = _sc_hist()(preds, failure_times, is_observed)
    out = _tc_finish()(partials)
    return out[0, 0]

# --- scband reference (transcript-rebuilt; emitter-appended) ---
"""Pipeline reference for scband-tied-cox-loss-39204461478243 (READ-ONLY COPY).

The authoritative reference and input builder live on the scoring server;
editing this copy changes nothing except your own understanding.
"""

import jax, jax.numpy as jnp
import numpy as np

N = 4096
NUM_TIMES = 128

def setup_inputs(seed: int = 0) -> dict:
    key = jax.random.key(seed)
    k1, k2, k3 = jax.random.split(key, 3)
    preds = jax.random.normal(k1, (N,), dtype=jnp.float32)
    failure_times = jax.random.randint(k2, (N,), 0, NUM_TIMES, dtype=jnp.int32)
    is_observed = jax.random.randint(k3, (N,), 0, 2, dtype=jnp.int32)
    return {"preds": preds, "failure_times": failure_times, "is_observed": is_observed}

def reference(preds, failure_times, is_observed):
    # torch.sort ascending on times; gather preds in sorted order
    sorted_idx = jnp.argsort(failure_times, stable=True)
    sorted_times = jnp.take(failure_times, sorted_idx, axis=0)
    sorted_preds = jnp.take(preds, sorted_idx, axis=0)
    exp_sorted_preds = jnp.exp(sorted_preds)
    ls_idx = jnp.arange(N, dtype=jnp.int32)
    ls_f = jnp.arange(N, dtype=jnp.float32)

    def body(t, log_likelihood):
        t = t.astype(jnp.int32)
        # unique event times among observed subjects: include t only if present
        present = jnp.any((failure_times == t) & (is_observed == 1))
        mask_t = sorted_times == t
        mask_risk = sorted_times >= t
        preds_at_t = jnp.where(mask_t, sorted_preds, 0.0)
        m_j = jnp.sum(mask_t).astype(jnp.int32)
        m_safe = jnp.maximum(m_j, 1).astype(jnp.float32)
        sum_preds = jnp.sum(preds_at_t)
        sum_exp_risk = jnp.sum(jnp.where(mask_risk, exp_sorted_preds, 0.0))
        sum_exp_t = jnp.sum(jnp.where(mask_t, exp_sorted_preds, 0.0))
        # sum_{l=0}^{m_j-1} log(sum_exp_risk - (l/m_j) * sum_exp_t)  (Efron correction)
        lmask = ls_idx < m_j
        ls = ls_f / m_safe
        log_arg = sum_exp_risk - ls * sum_exp_t
        safe_arg = jnp.where(lmask, log_arg, 1.0)
        sum_log = jnp.sum(jnp.where(lmask, jnp.log(safe_arg), 0.0))
        term = sum_preds - sum_log
        return log_likelihood + jnp.where(present, term, jnp.asarray(0.0, dtype=jnp.float32))

    log_likelihood = jax.lax.fori_loop(
        0, NUM_TIMES, body, jnp.asarray(0.0, dtype=jnp.float32)
    )
    return -log_likelihood

if __name__ == "__main__":
    import jax
    _d = setup_inputs()
    print(jax.jit(kernel)(*tuple(_d.values())))

</pallas_src>

<mosaic_0001>
#map = affine_map<(d0, d1) -> (0)>
#map1 = affine_map<(d0, d1) -> (0, 0)>
module attributes {stable_mosaic.version = 14 : i64} {
  func.func @_sc_body(%arg0: i32, %arg1: i32, %arg2: memref<4096xf32, #tpu.memory_space<hbm>>, %arg3: memref<4096xi32, #tpu.memory_space<hbm>>, %arg4: memref<4096xi32, #tpu.memory_space<hbm>>, %arg5: memref<16x384xf32, #tpu.memory_space<hbm>>, %arg6: memref<256xf32, #tpu.memory_space<vmem>>, %arg7: memref<256xi32, #tpu.memory_space<vmem>>, %arg8: memref<256xi32, #tpu.memory_space<vmem>>, %arg9: memref<384xf32, #tpu.memory_space<vmem>>, %arg10: memref<!tpu.dma_semaphore, #tpu.memory_space<semaphore_mem>>, %arg11: memref<!tpu.dma_semaphore, #tpu.memory_space<semaphore_mem>>, %arg12: memref<!tpu.dma_semaphore, #tpu.memory_space<semaphore_mem>>) attributes {dimension_semantics = [#tpu.dimension_semantics<core_parallel>, #tpu.dimension_semantics<subcore_parallel>], iteration_bounds = array<i64: 1, 16>, scalar_prefetch = 0 : i64, scratch_operands = 7 : i64, tpu.core_type = #tpu.core_type<sc_vector_subcore>, window_params = [{transform_indices = #map}, {transform_indices = #map}, {transform_indices = #map}, {transform_indices = #map1}]} {
    %mul3A = arith.constant 1 : i32
    %mul3A_0 = arith.muli %arg1, %mul3A : i32
    %add3A = arith.addi %mul3A_0, %arg0 : i32
    %mul3A_1 = arith.constant 256 : i32
    %mul3A_2 = arith.muli %add3A, %mul3A_1 : i32
    %dma_start3A = tpu.memref_slice %arg2[%mul3A_2] : memref<4096xf32, #tpu.memory_space<hbm>> -> memref<256xf32, #tpu.memory_space<hbm>>
    %dma_start3A_3 = tpu.memref_slice %arg2[%mul3A_2] : memref<4096xf32, #tpu.memory_space<hbm>> -> memref<256xf32, #tpu.memory_space<hbm>>
    tpu.enqueue_dma source(%dma_start3A_3 : memref<256xf32, #tpu.memory_space<hbm>>) target(%arg6 : memref<256xf32, #tpu.memory_space<vmem>>) target_semaphore(%arg10 : memref<!tpu.dma_semaphore, #tpu.memory_space<semaphore_mem>>)
    %dma_start3A_4 = tpu.memref_slice %arg3[%mul3A_2] : memref<4096xi32, #tpu.memory_space<hbm>> -> memref<256xi32, #tpu.memory_space<hbm>>
    %dma_start3A_5 = tpu.memref_slice %arg3[%mul3A_2] : memref<4096xi32, #tpu.memory_space<hbm>> -> memref<256xi32, #tpu.memory_space<hbm>>
    tpu.enqueue_dma source(%dma_start3A_5 : memref<256xi32, #tpu.memory_space<hbm>>) target(%arg7 : memref<256xi32, #tpu.memory_space<vmem>>) target_semaphore(%arg11 : memref<!tpu.dma_semaphore, #tpu.memory_space<semaphore_mem>>)
    %dma_start3A_6 = tpu.memref_slice %arg4[%mul3A_2] : memref<4096xi32, #tpu.memory_space<hbm>> -> memref<256xi32, #tpu.memory_space<hbm>>
    %dma_start3A_7 = tpu.memref_slice %arg4[%mul3A_2] : memref<4096xi32, #tpu.memory_space<hbm>> -> memref<256xi32, #tpu.memory_space<hbm>>
    tpu.enqueue_dma source(%dma_start3A_7 : memref<256xi32, #tpu.memory_space<hbm>>) target(%arg8 : memref<256xi32, #tpu.memory_space<vmem>>) target_semaphore(%arg12 : memref<!tpu.dma_semaphore, #tpu.memory_space<semaphore_mem>>)
    %broadcast_in_dim3A = arith.constant 0.000000e+00 : f32
    %broadcast_in_dim3A_8 = vector.broadcast %broadcast_in_dim3A : f32 to vector<16xf32>
    %scan3A = arith.constant 0 : i32
    %scan3A_9 = arith.constant 0 : i32
    %scan3A_10 = arith.constant 24 : i32
    %scan3A_11 = arith.addi %scan3A_9, %scan3A_10 : i32
    %scan3A_12 = arith.constant 1 : i32
    scf.for %scan3A_19 = %scan3A_9 to %scan3A_11 step %scan3A_12  : i32 {
      %mul3A_20 = arith.constant 16 : i32
      %mul3A_21 = arith.muli %scan3A_19, %mul3A_20 : i32
      %swap3A = arith.index_cast %mul3A_21 : i32 to index
      %swap3A_22 = tpu.vector_load %arg9[%swap3A] {strides = array<i32>} : memref<384xf32, #tpu.memory_space<vmem>>, vector<16xf32>,
      tpu.vector_store %arg9[%swap3A], %broadcast_in_dim3A_8 {strides = array<i32>} : memref<384xf32, #tpu.memory_space<vmem>>, vector<16xf32>,
    }
    %scan3A_13 = arith.constant 24 : i32
    %dma_wait3A = tpu.memref_slice %arg2[%mul3A_2] : memref<4096xf32, #tpu.memory_space<hbm>> -> memref<256xf32, #tpu.memory_space<hbm>>
    %dma_wait3A_14 = tpu.memref_slice %arg2[%mul3A_2] : memref<4096xf32, #tpu.memory_space<hbm>> -> memref<256xf32, #tpu.memory_space<hbm>>
    tpu.wait_dma2 semaphore(%arg10 : memref<!tpu.dma_semaphore, #tpu.memory_space<semaphore_mem>>) src(%dma_wait3A_14 : memref<256xf32, #tpu.memory_space<hbm>>) dst(%arg6 : memref<256xf32, #tpu.memory_space<vmem>>)
    %dma_wait3A_15 = tpu.memref_slice %arg3[%mul3A_2] : memref<4096xi32, #tpu.memory_space<hbm>> -> memref<256xi32, #tpu.memory_space<hbm>>
    %dma_wait3A_16 = tpu.memref_slice %arg3[%mul3A_2] : memref<4096xi32, #tpu.memory_space<hbm>> -> memref<256xi32, #tpu.memory_space<hbm>>
    tpu.wait_dma2 semaphore(%arg11 : memref<!tpu.dma_semaphore, #tpu.memory_space<semaphore_mem>>) src(%dma_wait3A_16 : memref<256xi32, #tpu.memory_space<hbm>>) dst(%arg7 : memref<256xi32, #tpu.memory_space<vmem>>)
    %dma_wait3A_17 = tpu.memref_slice %arg4[%mul3A_2] : memref<4096xi32, #tpu.memory_space<hbm>> -> memref<256xi32, #tpu.memory_space<hbm>>
    %dma_wait3A_18 = tpu.memref_slice %arg4[%mul3A_2] : memref<4096xi32, #tpu.memory_space<hbm>> -> memref<256xi32, #tpu.memory_space<hbm>>
    tpu.wait_dma2 semaphore(%arg12 : memref<!tpu.dma_semaphore, #tpu.memory_space<semaphore_mem>>) src(%dma_wait3A_18 : memref<256xi32, #tpu.memory_space<hbm>>) dst(%arg8 : memref<256xi32, #tpu.memory_space<vmem>>)
    "tpu.region"() ({
      %run_scoped3A = tpu.sem_alloc : memref<!tpu.dma_semaphore, #tpu.memory_space<semaphore_mem>>
      %dma_start3A_19 = arith.constant 0 : i32
      %dma_start3A_20 = tpu.memref_slice %arg5[%add3A, %dma_start3A_19] : memref<16x384xf32, #tpu.memory_space<hbm>> -> memref<1x384xf32, #tpu.memory_space<hbm>>
      %dma_start3A_21 = tpu.memref_squeeze %dma_start3A_20 : memref<1x384xf32, #tpu.memory_space<hbm>> -> memref<384xf32, #tpu.memory_space<hbm>>
      %dma_start3A_22 = arith.constant 0 : i32
      %dma_start3A_23 = tpu.memref_slice %arg5[%add3A, %dma_start3A_22] : memref<16x384xf32, #tpu.memory_space<hbm>> -> memref<1x384xf32, #tpu.memory_space<hbm>>
      %dma_start3A_24 = tpu.memref_squeeze %dma_start3A_23 : memref<1x384xf32, #tpu.memory_space<hbm>> -> memref<384xf32, #tpu.memory_space<hbm>>
      tpu.enqueue_dma source(%arg9 : memref<384xf32, #tpu.memory_space<vmem>>) target(%dma_start3A_24 : memref<384xf32, #tpu.memory_space<hbm>>) target_semaphore(%run_scoped3A : memref<!tpu.dma_semaphore, #tpu.memory_space<semaphore_mem>>)
      %dma_wait3A_25 = arith.constant 0 : i32
      %dma_wait3A_26 = tpu.memref_slice %arg5[%add3A, %dma_wait3A_25] : memref<16x384xf32, #tpu.memory_space<hbm>> -> memref<1x384xf32, #tpu.memory_space<hbm>>
      %dma_wait3A_27 = tpu.memref_squeeze %dma_wait3A_26 : memref<1x384xf32, #tpu.memory_space<hbm>> -> memref<384xf32, #tpu.memory_space<hbm>>
      %dma_wait3A_28 = arith.constant 0 : i32
      %dma_wait3A_29 = tpu.memref_slice %arg5[%add3A, %dma_wait3A_28] : memref<16x384xf32, #tpu.memory_space<hbm>> -> memref<1x384xf32, #tpu.memory_space<hbm>>
      %dma_wait3A_30 = tpu.memref_squeeze %dma_wait3A_29 : memref<1x384xf32, #tpu.memory_space<hbm>> -> memref<384xf32, #tpu.memory_space<hbm>>
      tpu.wait_dma2 semaphore(%run_scoped3A : memref<!tpu.dma_semaphore, #tpu.memory_space<semaphore_mem>>) src(%arg9 : memref<384xf32, #tpu.memory_space<vmem>>) dst(%dma_wait3A_30 : memref<384xf32, #tpu.memory_space<hbm>>)
      tpu.yield
    }) : () -> ()
    return
  }
}

module attributes {stable_mosaic.version = 14 : i64} {
  func.func @_tc_body(%arg0: memref<16x384xf32, #tpu.memory_space<vmem>>, %arg1: memref<1x1xf32, #tpu.memory_space<smem>>) attributes {dimension_semantics = [], scalar_prefetch = 0 : i64, scratch_operands = 0 : i64, tpu.core_type = #tpu.core_type<tc>} {
    %get3A = arith.constant 0 : index
    %get3A_0 = arith.constant 0 : index
    %get3A_1 = vector.load %arg0[%get3A, %get3A_0] : memref<16x384xf32, #tpu.memory_space<vmem>>, vector<16x384xf32>
    %slice3A = vector.extract_strided_slice %get3A_1 {offsets = [0, 0], sizes = [16, 128], strides = [1, 1]} : vector<16x384xf32> to vector<16x128xf32>
    %reduce_sum3A = arith.constant dense<0.000000e+00> : vector<128xf32>
    %reduce_sum3A_2 = vector.multi_reduction <add>, %slice3A, %reduce_sum3A [0] : vector<16x128xf32> to vector<128xf32>
    %broadcast_in_dim3A = vector.shape_cast %reduce_sum3A_2 : vector<128xf32> to vector<1x128xf32>
    %slice3A_3 = vector.extract_strided_slice %get3A_1 {offsets = [0, 128], sizes = [16, 128], strides = [1, 1]} : vector<16x384xf32> to vector<16x128xf32>
    %reduce_sum3A_4 = arith.constant dense<0.000000e+00> : vector<128xf32>
    %reduce_sum3A_5 = vector.multi_reduction <add>, %slice3A_3, %reduce_sum3A_4 [0] : vector<16x128xf32> to vector<128xf32>
    %broadcast_in_dim3A_6 = vector.shape_cast %reduce_sum3A_5 : vector<128xf32> to vector<1x128xf32>
    %slice3A_7 = vector.extract_strided_slice %get3A_1 {offsets = [0, 256], sizes = [16, 128], strides = [1, 1]} : vector<16x384xf32> to vector<16x128xf32>
    %reduce_sum3A_8 = arith.constant dense<0.000000e+00> : vector<128xf32>
    %reduce_sum3A_9 = vector.multi_reduction <add>, %slice3A_7, %reduce_sum3A_8 [0] : vector<16x128xf32> to vector<128xf32>
    %broadcast_in_dim3A_10 = vector.shape_cast %reduce_sum3A_9 : vector<128xf32> to vector<1x128xf32>
    %floor3A = math.floor %broadcast_in_dim3A_10 : vector<1x128xf32>
    %sub3A = arith.subf %broadcast_in_dim3A_10, %floor3A : vector<1x128xf32>
    %iota3A = tpu.iota {dimensions = array<i32: 0>} : vector<128x128xi32>
    %iota3A_11 = tpu.iota {dimensions = array<i32: 1>} : vector<128x128xi32>
    %ge3A = arith.cmpi sge, %iota3A, %iota3A_11 : vector<128x128xi32>
    %convert_element_type3A = arith.extui %ge3A : vector<128x128xi1> to vector<128x128xi32>
    %convert_element_type3A_12 = arith.sitofp %convert_element_type3A : vector<128x128xi32> to vector<128x128xf32>
    %broadcast_in_dim3A_13 = vector.shape_cast %broadcast_in_dim3A_6 : vector<1x128xf32> to vector<1x128xf32>
    %broadcast_in_dim3A_14 = vector.broadcast %broadcast_in_dim3A_13 : vector<1x128xf32> to vector<128x128xf32>
    %broadcast_in_dim3A_15 = vector.shape_cast %broadcast_in_dim3A_6 : vector<1x128xf32> to vector<1x128xf32>
    %broadcast_in_dim3A_16 = vector.broadcast %broadcast_in_dim3A_15 : vector<1x128xf32> to vector<8x128xf32>
    %dot_general3A = arith.constant dense<0.000000e+00> : vector<8x128xf32>
    %dot_general3A_17 = tpu.matmul %broadcast_in_dim3A_16, %convert_element_type3A_12, %dot_general3A {dimension_numbers = #tpu.dot_dimension_numbers<[1], [0], [0], [1], [0, 0, 1, 1], [], []>, transpose_lhs_hint = false} : vector<8x128xf32>, vector<128x128xf32>, vector<8x128xf32> -> vector<8x128xf32>
    %slice3A_18 = vector.extract_strided_slice %dot_general3A_17 {offsets = [0, 0], sizes = [1, 128], strides = [1, 1]} : vector<8x128xf32> to vector<1x128xf32>
    %broadcast_in_dim3A_19 = vector.shape_cast %slice3A_18 : vector<1x128xf32> to vector<1x128xf32>
    %broadcast_in_dim3A_20 = vector.broadcast %broadcast_in_dim3A_19 : vector<1x128xf32> to vector<128x128xf32>
    %broadcast_in_dim3A_21 = vector.shape_cast %floor3A : vector<1x128xf32> to vector<1x128xf32>
    %broadcast_in_dim3A_22 = vector.broadcast %broadcast_in_dim3A_21 : vector<1x128xf32> to vector<128x128xf32>
    %max3A = arith.constant 1.000000e+00 : f32
    %max3A_23 = vector.broadcast %max3A : f32 to vector<128x128xf32>
    %max3A_24 = arith.maximumf %broadcast_in_dim3A_22, %max3A_23 : vector<128x128xf32>
    %convert_element_type3A_25 = arith.sitofp %iota3A : vector<128x128xi32> to vector<128x128xf32>
    %lt3A = arith.cmpf olt, %convert_element_type3A_25, %broadcast_in_dim3A_22 : vector<128x128xf32>
    %div3A = arith.divf %convert_element_type3A_25, %max3A_24 : vector<128x128xf32>
    %mul3A = arith.mulf %div3A, %broadcast_in_dim3A_14 : vector<128x128xf32>
    %sub3A_26 = arith.subf %broadcast_in_dim3A_20, %mul3A : vector<128x128xf32>
    %jit3A = arith.constant 1.000000e+00 : f32
    %broadcast_in_dim3A_27 = vector.broadcast %jit3A : f32 to vector<128x128xf32>
    %select_n3A = arith.select %lt3A, %sub3A_26, %broadcast_in_dim3A_27 : vector<128x128xi1>, vector<128x128xf32>
    %log3A = math.log %select_n3A : vector<128x128xf32>
    %jit3A_28 = arith.constant 0.000000e+00 : f32
    %broadcast_in_dim3A_29 = vector.broadcast %jit3A_28 : f32 to vector<128x128xf32>
    %select_n3A_30 = arith.select %lt3A, %log3A, %broadcast_in_dim3A_29 : vector<128x128xi1>, vector<128x128xf32>
    %reduce_sum3A_31 = arith.constant dense<0.000000e+00> : vector<128xf32>
    %reduce_sum3A_32 = vector.multi_reduction <add>, %select_n3A_30, %reduce_sum3A_31 [0] : vector<128x128xf32> to vector<128xf32>
    %broadcast_in_dim3A_33 = vector.shape_cast %reduce_sum3A_32 : vector<128xf32> to vector<1x128xf32>
    %reduce_max3A = vector.shape_cast %floor3A : vector<1x128xf32> to vector<1x1x128xf32>
    %reduce_max3A_34 = arith.constant dense<0xFF800000> : vector<1xf32>
    %reduce_max3A_35 = vector.multi_reduction <maximumf>, %reduce_max3A, %reduce_max3A_34 [1, 2] : vector<1x1x128xf32> to vector<1xf32>
    %reduce_max3A_36 = vector.shape_cast %reduce_max3A_35 : vector<1xf32> to vector<1x1x1xf32>
    %reduce_max3A_37 = vector.extract %reduce_max3A_36[0, 0, 0] : f32 from vector<1x1x1xf32>
    %convert_element_type3A_38 = arith.fptosi %reduce_max3A_37 : f32 to i32
    %add3A = arith.constant 7 : i32
    %add3A_39 = arith.addi %convert_element_type3A_38, %add3A : i32
    %jit3A_40 = arith.constant 8 : i32
    %div3A_41 = arith.divsi %add3A_39, %jit3A_40 : i32
    %sign3A = arith.constant 0 : i32
    %sign3A_42 = arith.cmpi sgt, %add3A_39, %sign3A : i32
    %sign3A_43 = arith.extui %sign3A_42 : i1 to i32
    %sign3A_44 = arith.constant 0 : i32
    %sign3A_45 = arith.cmpi slt, %add3A_39, %sign3A_44 : i32
    %sign3A_46 = arith.extui %sign3A_45 : i1 to i32
    %sign3A_47 = arith.subi %sign3A_43, %sign3A_46 : i32
    %sign3A_48 = arith.constant 0 : i32
    %sign3A_49 = arith.cmpi sgt, %jit3A_40, %sign3A_48 : i32
    %sign3A_50 = arith.extui %sign3A_49 : i1 to i32
    %sign3A_51 = arith.constant 0 : i32
    %sign3A_52 = arith.cmpi slt, %jit3A_40, %sign3A_51 : i32
    %sign3A_53 = arith.extui %sign3A_52 : i1 to i32
    %sign3A_54 = arith.subi %sign3A_50, %sign3A_53 : i32
    %ne3A = arith.cmpi ne, %sign3A_47, %sign3A_54 : i32
    %rem3A = arith.remsi %add3A_39, %jit3A_40 : i32
    %ne3A_55 = arith.constant 0 : i32
    %ne3A_56 = arith.cmpi ne, %rem3A, %ne3A_55 : i32
    %and3A = arith.andi %ne3A, %ne3A_56 : i1
    %sub3A_57 = arith.constant 1 : i32
    %sub3A_58 = arith.subi %div3A_41, %sub3A_57 : i32
    %select_n3A_59 = arith.select %and3A, %sub3A_58, %div3A_41 : i32
    %broadcast_in_dim3A_60 = vector.shape_cast %broadcast_in_dim3A_6 : vector<1x128xf32> to vector<1x128xf32>
    %broadcast_in_dim3A_61 = vector.broadcast %broadcast_in_dim3A_60 : vector<1x128xf32> to vector<8x128xf32>
    %slice3A_62 = vector.extract_strided_slice %broadcast_in_dim3A_20 {offsets = [0, 0], sizes = [1, 128], strides = [1, 1]} : vector<128x128xf32> to vector<1x128xf32>
    %broadcast_in_dim3A_63 = vector.shape_cast %slice3A_62 : vector<1x128xf32> to vector<1x128xf32>
    %broadcast_in_dim3A_64 = vector.broadcast %broadcast_in_dim3A_63 : vector<1x128xf32> to vector<8x128xf32>
    %broadcast_in_dim3A_65 = vector.shape_cast %floor3A : vector<1x128xf32> to vector<1x128xf32>
    %broadcast_in_dim3A_66 = vector.broadcast %broadcast_in_dim3A_65 : vector<1x128xf32> to vector<8x128xf32>
    %max3A_67 = arith.constant 1.000000e+00 : f32
    %max3A_68 = vector.broadcast %max3A_67 : f32 to vector<8x128xf32>
    %max3A_69 = arith.maximumf %broadcast_in_dim3A_66, %max3A_68 : vector<8x128xf32>
    %iota3A_70 = tpu.iota {dimensions = array<i32: 0>} : vector<8x128xi32>
    %convert_element_type3A_71 = arith.sitofp %iota3A_70 : vector<8x128xi32> to vector<8x128xf32>
    %while3A = arith.constant 16 : i32
    %while3A_72 = arith.subi %select_n3A_59, %while3A : i32
    %while3A_73 = arith.addi %while3A, %while3A_72 : i32
    %while3A_74 = arith.constant 1 : i32
    %while3A_75 = arith.divsi %while3A_72, %while3A_74 : i32
    %while3A_76 = arith.muli %while3A_75, %while3A_74 : i32
    %while3A_77 = arith.addi %while3A, %while3A_76 : i32
    %while3A_78 = arith.constant 1 : i32
    %while3A_79 = scf.for %while3A_96 = %while3A to %while3A_77 step %while3A_78 iter_args(%while3A_97 = %broadcast_in_dim3A_33) -> (vector<1x128xf32>)  : i32 {
      %convert_element_type3A_98 = arith.sitofp %while3A_96 : i32 to f32
      %mul3A_99 = arith.constant 8.000000e+00 : f32
      %mul3A_100 = arith.mulf %mul3A_99, %convert_element_type3A_98 : f32
      %add3A_101 = vector.broadcast %mul3A_100 : f32 to vector<8x128xf32>
      %add3A_102 = arith.addf %convert_element_type3A_71, %add3A_101 : vector<8x128xf32>
      %lt3A_103 = arith.cmpf olt, %add3A_102, %broadcast_in_dim3A_66 : vector<8x128xf32>
      %div3A_104 = arith.divf %add3A_102, %max3A_69 : vector<8x128xf32>
      %mul3A_105 = arith.mulf %div3A_104, %broadcast_in_dim3A_61 : vector<8x128xf32>
      %sub3A_106 = arith.subf %broadcast_in_dim3A_64, %mul3A_105 : vector<8x128xf32>
      %jit3A_107 = arith.constant 1.000000e+00 : f32
      %broadcast_in_dim3A_108 = vector.broadcast %jit3A_107 : f32 to vector<8x128xf32>
      %select_n3A_109 = arith.select %lt3A_103, %sub3A_106, %broadcast_in_dim3A_108 : vector<8x128xi1>, vector<8x128xf32>
      %log3A_110 = math.log %select_n3A_109 : vector<8x128xf32>
      %jit3A_111 = arith.constant 0.000000e+00 : f32
      %broadcast_in_dim3A_112 = vector.broadcast %jit3A_111 : f32 to vector<8x128xf32>
      %select_n3A_113 = arith.select %lt3A_103, %log3A_110, %broadcast_in_dim3A_112 : vector<8x128xi1>, vector<8x128xf32>
      %reduce_sum3A_114 = arith.constant dense<0.000000e+00> : vector<128xf32>
      %reduce_sum3A_115 = vector.multi_reduction <add>, %select_n3A_113, %reduce_sum3A_114 [0] : vector<8x128xf32> to vector<128xf32>
      %broadcast_in_dim3A_116 = vector.shape_cast %reduce_sum3A_115 : vector<128xf32> to vector<1x128xf32>
      %add3A_117 = arith.addf %while3A_97, %broadcast_in_dim3A_116 : vector<1x128xf32>
      scf.yield %add3A_117 : vector<1x128xf32>
    }
    %while3A_80 = arith.constant 1 : i32
    %while3A_81 = scf.for %while3A_96 = %while3A_77 to %while3A_73 step %while3A_80 iter_args(%while3A_97 = %while3A_79) -> (vector<1x128xf32>)  : i32 {
      %convert_element_type3A_98 = arith.sitofp %while3A_96 : i32 to f32
      %mul3A_99 = arith.constant 8.000000e+00 : f32
      %mul3A_100 = arith.mulf %mul3A_99, %convert_element_type3A_98 : f32
      %add3A_101 = vector.broadcast %mul3A_100 : f32 to vector<8x128xf32>
      %add3A_102 = arith.addf %convert_element_type3A_71, %add3A_101 : vector<8x128xf32>
      %lt3A_103 = arith.cmpf olt, %add3A_102, %broadcast_in_dim3A_66 : vector<8x128xf32>
      %div3A_104 = arith.divf %add3A_102, %max3A_69 : vector<8x128xf32>
      %mul3A_105 = arith.mulf %div3A_104, %broadcast_in_dim3A_61 : vector<8x128xf32>
      %sub3A_106 = arith.subf %broadcast_in_dim3A_64, %mul3A_105 : vector<8x128xf32>
      %jit3A_107 = arith.constant 1.000000e+00 : f32
      %broadcast_in_dim3A_108 = vector.broadcast %jit3A_107 : f32 to vector<8x128xf32>
      %select_n3A_109 = arith.select %lt3A_103, %sub3A_106, %broadcast_in_dim3A_108 : vector<8x128xi1>, vector<8x128xf32>
      %log3A_110 = math.log %select_n3A_109 : vector<8x128xf32>
      %jit3A_111 = arith.constant 0.000000e+00 : f32
      %broadcast_in_dim3A_112 = vector.broadcast %jit3A_111 : f32 to vector<8x128xf32>
      %select_n3A_113 = arith.select %lt3A_103, %log3A_110, %broadcast_in_dim3A_112 : vector<8x128xi1>, vector<8x128xf32>
      %reduce_sum3A_114 = arith.constant dense<0.000000e+00> : vector<128xf32>
      %reduce_sum3A_115 = vector.multi_reduction <add>, %select_n3A_113, %reduce_sum3A_114 [0] : vector<8x128xf32> to vector<128xf32>
      %broadcast_in_dim3A_116 = vector.shape_cast %reduce_sum3A_115 : vector<128xf32> to vector<1x128xf32>
      %add3A_117 = arith.addf %while3A_97, %broadcast_in_dim3A_116 : vector<1x128xf32>
      scf.yield %add3A_117 : vector<1x128xf32>
    }
    %gt3A = arith.constant 0.000000e+00 : f32
    %gt3A_82 = vector.broadcast %gt3A : f32 to vector<1x128xf32>
    %gt3A_83 = arith.cmpf ogt, %sub3A, %gt3A_82 : vector<1x128xf32>
    %sub3A_84 = arith.subf %broadcast_in_dim3A, %while3A_81 : vector<1x128xf32>
    %jit3A_85 = arith.constant 0.000000e+00 : f32
    %broadcast_in_dim3A_86 = vector.broadcast %jit3A_85 : f32 to vector<1x128xf32>
    %select_n3A_87 = arith.select %gt3A_83, %sub3A_84, %broadcast_in_dim3A_86 : vector<1x128xi1>, vector<1x128xf32>
    %reduce_sum3A_88 = vector.shape_cast %select_n3A_87 : vector<1x128xf32> to vector<1x1x128xf32>
    %reduce_sum3A_89 = arith.constant dense<0.000000e+00> : vector<1xf32>
    %reduce_sum3A_90 = vector.multi_reduction <add>, %reduce_sum3A_88, %reduce_sum3A_89 [1, 2] : vector<1x1x128xf32> to vector<1xf32>
    %reduce_sum3A_91 = vector.shape_cast %reduce_sum3A_90 : vector<1xf32> to vector<1x1x1xf32>
    %reduce_sum3A_92 = vector.extract %reduce_sum3A_91[0, 0, 0] : f32 from vector<1x1x1xf32>
    %neg3A = arith.constant 0.000000e+00 : f32
    %neg3A_93 = arith.subf %neg3A, %reduce_sum3A_92 : f32
    %swap3A = arith.constant 0 : index
    %swap3A_94 = arith.constant 0 : index
    %swap3A_95 = memref.load %arg1[%swap3A, %swap3A_94] : memref<1x1xf32, #tpu.memory_space<smem>>
    memref.store %neg3A_93, %arg1[%swap3A, %swap3A_94] : memref<1x1xf32, #tpu.memory_space<smem>>
    return
  }
}

</mosaic_0001>

<sc_bundles>
// kernel: kernel.4.cloned.1.call-start
scs
__scs_entry_jumppad:
0x0: {  	(pc) =	sbr.rel $0x88, $3  }
0x1: {  	(tag) =	ssettag $0x0;
	lr =	simm.s32 $0x1  }
0x2: {  	[smem:$0x3F9E] =	sst lr;
	_ =	strace $0xD0000000  }
0x3: {  	_ = 	snop  }
0x4: {  	_ = 	snop  }
0x5: {  	_ = 	snop  }
0x6: {  	_ = 	snop  }
0x7: {  	_ = 	snop  }
__scs_overlays_trampoline_lowered:
0x8: {  	[smem:$0x3FAD] =	sst s0  }
0x9: {  	[smem:$0x3FAE] =	sst s1  }
0xa: {  	[smem:$0x3FAF] =	sst s2  }
0xb: {  	[smem:$0x3FB0] =	sst s3  }
0xc: {  	[smem:$0x3FB1] =	sst s4  }
0xd: {  	[smem:$0x3FB2] =	sst s5  }
0xe: {  	[smem:$0x3FB3] =	sst s6  }
0xf: {  	[smem:$0x3FB4] =	sst s7  }
0x10: {  	[smem:$0x3FB5] =	sst s8  }
0x11: {  	[smem:$0x3FB6] =	sst s9;
	s0 =	simm.s32 @!p0 $0x0  }
0x12: {  	s1 =	sld [smem:$0x3F9C];
	s0 =	simm.s32 @p0 $0x1  }
0x13: {  	[smem:$0x3FB7] =	sst s0;
	s0 =	simm.s32 @!p1 $0x0  }
0x14: {  	s2 =	sld [smem:$0x3F9B];
	s0 =	simm.s32 @p1 $0x1  }
0x15: {  	[smem:$0x3FB8] =	sst s0;
	s0 =	simm.s32 @!p2 $0x0  }
0x16: {  	s3 =	sld [smem:$0x3FDB];
	s0 =	simm.s32 @p2 $0x1  }
0x17: {  	s4 =	simm.s32 $0x1BF5;
	[smem:$0x3FBA] =	sst s0  }
0x18: {  	s0 =	sld [smem:$0x3F9D];
	_ =	swait.ge [sflag:s4], $0x0  }
0x19: {  	s7 =	sld [smem:$0x3F9E]  }
0x1a: {  	s8 =	sadd.s32 $0xFFFFE003, lr  }
0x1b: {  	s9 =	sadd.s32 $0xFFFFFEF7, lr;
	s5 =	simm.s32 $0xFFFFFFFF;
	p2 =	slt.u32 s8, $0xFFFFF086  }
0x1c: {  	p1 =	slt.u32 s9, $0xF7A;
	s5 =	simm.s32 @!p2 $0x0  }
0x1d: {  	s5 =	simm.s32 @p1 $0x1;
	p0 =	seq.s32 s7, s2  }
0x1e: {  	s7 =	smul.u32 @!p0 $0xF7A, s2;
	p2 =	seq.s32 @!p0 s5, $0x0  }
0x1f: {  	s9 =	smul.u32 $0xF7A, s1;
	s8 =	simm.s32 @!p0 $0x1BF5;
	p2 =	por !p2, p0  }
0x20: {  	[sflag:s8] =	ssyncset.s32 @!p0 $0xFFFFF086;
	s6 =	sadd.s32 @!p0 s3, s7;
	s7 =	simm.s32 @!p0 $0x108  }
0x21: {  	s3 =	sadd.s32 s3, s9;
	s6 =	sadd.s32 @!p0 $0x88, s6;
	s7 =	simm.s32 @p2 $0x1082  }
0x22: {  	[simem:s7], [sflag:s8] =	dma.local @!p0 [hbm:s6], $0xF7A  }
0x23: {  	s9 =	sor.u32 $0xD0000000, s2;
	s6 =	simm.s32 $0x108;
	_ =	swait.ge @!p0 [sflag:s8], $0x0  }
0x24: {  	s3 =	sadd.s32 $0x88, s3;
	s6 =	simm.s32 @!p1 $0x1082;
	[sflag:s4] =	ssyncset.s32 $0xFFFFF086  }
0x25: {  	[simem:s6], [sflag:s4] =	dma.local [hbm:s3], $0xF7A  }
0x26: {  	[smem:$0x3F9E] =	sst s1;
	(tag) =	ssettag s2;
	_ =	strace s9  }
0x27: {  	s1 =	sld [smem:$0x3FAE]  }
0x28: {  	s2 =	sld [smem:$0x3FAF]  }
0x29: {  	s4 =	sld [smem:$0x3FB1]  }
0x2a: {  	p0 =	seq.s32 s5, $0x0;
	s5 =	sld [smem:$0x3FB2]  }
0x2b: {  	s6 =	sld [smem:$0x3FB3]  }
0x2c: {  	s7 =	sld [smem:$0x3FB4]  }
0x2d: {  	s3 =	simm.s32 $0x108;
	s8 =	sld [smem:$0x3FB5]  }
0x2e: {  	s3 =	simm.s32 @!p0 $0x1082;
	s9 =	sld [smem:$0x3FB6]  }
0x2f: {  	lr =	sadd.s32 s0, s3;
	s0 =	sld [smem:$0x3FAD]  }
0x30: {  	s3 =	sld [smem:$0x3FB0]  }
0x31: {  	[smem:$0x3FB9] =	sst s10  }
0x32: {  	s10 =	sld [smem:$0x3FB7];
	_ =	sdelay $0x3  }
0x33: {  	p0 =	seq.s32 s10, $0x1;
	s10 =	sld [smem:$0x3FB9];
	_ =	sdelay $0x3  }
0x34: {  	[smem:$0x3FB9] =	sst s10  }
0x35: {  	s10 =	sld [smem:$0x3FB8];
	_ =	sdelay $0x3  }
0x36: {  	p1 =	seq.s32 s10, $0x1;
	s10 =	sld [smem:$0x3FB9];
	_ =	sdelay $0x3  }
0x37: {  	[smem:$0x3FB9] =	sst s10  }
0x38: {  	s10 =	sld [smem:$0x3FBA]  }
0x39: {  	_ = 	snop;
	(pc) =	sbr.ind lr, $3  }
0x3a: {  	_ = 	snop  }
0x3b: {  	_ = 	snop  }
0x3c: {  	p2 =	seq.s32 s10, $0x1;
	s10 =	sld [smem:$0x3FB9]  }
0x3d: {  	_ =	shalt  }
0x3e: {  	_ =	shalt  }
0x3f: {  	_ =	shalt  }
0x40: {  	_ =	shalt  }
0x41: {  	_ =	shalt  }
0x42: {  	_ =	shalt  }
0x43: {  	_ =	shalt  }
0x44: {  	_ =	shalt  }
0x45: {  	_ =	shalt  }
0x46: {  	_ =	shalt  }
0x47: {  	_ =	shalt  }
0x48: {  	_ =	shalt  }
0x49: {  	_ =	shalt  }
0x4a: {  	_ =	shalt  }
0x4b: {  	_ =	shalt  }
0x4c: {  	_ =	shalt  }
0x4d: {  	_ =	shalt  }
0x4e: {  	_ =	shalt  }
0x4f: {  	_ =	shalt  }
0x50: {  	_ =	shalt  }
0x51: {  	_ =	shalt  }
0x52: {  	_ =	shalt  }
0x53: {  	_ =	shalt  }
0x54: {  	_ =	shalt  }
0x55: {  	_ =	shalt  }
0x56: {  	_ =	shalt  }
0x57: {  	_ =	shalt  }
0x58: {  	_ =	shalt  }
0x59: {  	_ =	shalt  }
0x5a: {  	_ =	shalt  }
0x5b: {  	_ =	shalt  }
0x5c: {  	_ =	shalt  }
0x5d: {  	_ =	shalt  }
0x5e: {  	_ =	shalt  }
0x5f: {  	_ =	shalt  }
0x60: {  	_ =	shalt  }
0x61: {  	_ =	shalt  }
0x62: {  	_ =	shalt  }
0x63: {  	_ =	shalt  }
0x64: {  	_ =	shalt  }
0x65: {  	_ =	shalt  }
0x66: {  	_ =	shalt  }
0x67: {  	_ =	shalt  }
0x68: {  	_ =	shalt  }
0x69: {  	_ =	shalt  }
0x6a: {  	_ =	shalt  }
0x6b: {  	_ =	shalt  }
0x6c: {  	_ =	shalt  }
0x6d: {  	_ =	shalt  }
0x6e: {  	_ =	shalt  }
0x6f: {  	_ =	shalt  }
0x70: {  	_ =	shalt  }
0x71: {  	_ =	shalt  }
0x72: {  	_ =	shalt  }
0x73: {  	_ =	shalt  }
0x74: {  	_ =	shalt  }
0x75: {  	_ =	shalt  }
0x76: {  	_ =	shalt  }
0x77: {  	_ =	shalt  }
0x78: {  	_ =	shalt  }
0x79: {  	_ =	shalt  }
0x7a: {  	_ =	shalt  }
0x7b: {  	_ =	shalt  }
0x7c: {  	_ =	shalt  }
0x7d: {  	_ =	shalt  }
0x7e: {  	_ =	shalt  }
0x7f: {  	_ =	shalt  }
0x80: {  	_ =	shalt  }
0x81: {  	_ =	shalt  }
0x82: {  	_ =	shalt  }
0x83: {  	_ =	shalt  }
0x84: {  	_ =	shalt  }
0x85: {  	_ =	shalt  }
0x86: {  	_ =	shalt  }
0x87: {  	_ =	shalt  }
.Lfunc_end0:
.L_simem_size_0:
called_computation_lowered:
.L_overlay_start_0:
0x88: {  	s0 =	sld [smem:$0x3FD9]  }
0x89: {  	s1 =	sld [smem:$0x3FFE];
	_ =	sdelay $0x3  }
0x8a: {  	s0 =	sadd.s32 s1, s0  }
0x8b: {  	[smem:$0x3FC5] =	sst s0  }
0x8c: {  	_ = 	snop  }
0x8d: {  	s0 =	sld [smem:$0x3FC9]  }
0x8e: {  	s16 =	sld [smem:$0x3FC8]  }
0x8f: {  	s2 =	sld [smem:$0x3FC7];
	(tm) =	ssettm $0x1  }
0x90: {  	s3 =	sld [smem:$0x3FFB];
	_ =	sdelay $0x3  }
0x91: {  	_ =	strace s3  }
0x92: {  	s3 =	sld [smem:$0x3FFC];
	_ =	sdelay $0x3  }
0x93: {  	_ =	strace s3  }
0x94: {  	s3 =	sld [smem:$0x3FFD];
	_ =	sdelay $0x3  }
0x95: {  	_ =	strace s3  }
0x96: {  	_ =	strace $0x8FFFFFFF  }
0x97: {  	s17 =	sld [smem:$0x3FDB];
	_ =	sdelay $0x1  }
0x98: {  	s4 =	simm.s32 $_scs_section_size  }
0x99: {  	s5 =	simm.s32 $_size__tile_overlayer_lowered;
	s6 =	simm.s32 $_tile_overlayer_lowered  }
0x9a: {  	s20 =	simm.s32 $0x1BFF;
	s19 =	sshll.u32 s6, $0x1;
	s3 =	sadd.s32 s4, s17  }
0x9b: {  	s7 =	simm.s32 $0x0;
	s18 =	sshll.u32 s5, $0x1;
	s5 =	sadd.s32 s19, s3  }
0x9c: {  	[timem:s7], [sflag:s20] =	dma.local [hbm:s5], s18  }
0x9d: {  	_ =	swait.ge [sflag:s20], s18  }
0x9e: {  	s4 =	ssub.s32 $0x0, s18;
	[sflag:s20] =	ssyncset.done $0x0  }
0x9f: {  	[sflag:s20] =	ssyncadd.s32 s4;
	_ =	sdelay $0x1  }
0xa0: {  	s21 =	simm.s32 $0x1B8B  }
0xa1: {  	_ =	swait.ge [sflag:s21], $0x1  }
0xa2: {  	[sflag:s21] =	ssyncset.done $0x0  }
0xa3: {  	s23 =	simm.s32 $0x1B8E;
	s22 =	sld [smem:$0x3FFE];
	[sflag:s21] =	ssyncadd.s32 $0xFFFFFFFF  }
0xa4: {  	s24 =	simm.s32 $execute0_lowered;
	[smem:$0x3FD2] =	sst s23  }
0xa5: {  	s5 =	sshll.u32 s24, $0x1;
	_ =	strace $0x80000046;
	[dreg:$0x1] =	wrdreg $0xFFFFFFFF  }
0xa6: {  	s25 =	simm.s32 $_size_execute0_lowered;
	s3 =	sadd.s32 s3, s5;
	[dreg:$0x0] =	wrdreg $0x0  }
0xa7: {  	s5 =	sshll.u32 s25, $0x1;
	[dreg:$0x2] =	wrdreg s3  }
0xa8: {  	[dreg:$0x3] =	wrdreg s5  }
0xa9: {  	[dreg:$0x4] =	wrdreg $0xC0  }
0xaa: {  	_ =	task [dreg:s7], $0x5FFFF  }
0xab: {  	[dreg:$0x1] =	wrdreg $0xFFFFFFFF  }
0xac: {  	[dreg:$0x0] =	wrdreg $0x60  }
0xad: {  	[dreg:$0x2] =	wrdreg s0  }
0xae: {  	[dreg:$0x3] =	wrdreg s16  }
0xaf: {  	[dreg:$0x4] =	wrdreg s2  }
0xb0: {  	[dreg:$0x5] =	wrdreg s22  }
0xb1: {  	[dreg:$0x6] =	wrdreg $0x9  }
0xb2: {  	_ =	task.clear_ibuf [dreg:s7], $0x7FFFF;
	_ =	strace $0x90000046  }
0xb3: {  	s26 =	simm.s32 $0x9;
	_ =	strace $0x80000048  }
0xb4: {  	_ =	swait.ge [sflag:s26], $0x1  }
0xb5: {  	[sflag:s26] =	ssyncadd.s32 $0xFFFFFFFF  }
0xb6: {  	_ =	strace $0x90000048  }
0xb7: {  	_ =	sfence  }
0xb8: {  	s28 =	sld [smem:$0x0];
	_ =	sdelay $0x1  }
0xb9: {  	s29 =	srdreg.scid  }
0xba: {  	s30 =	sshll.u32 s29, $0xD;
	s31 =	sshrl.u32 s29, $0x2  }
0xbb: {  	s1 =	sand.u32 $0x1, s29;
	s2 =	sand.u32 $0x4000, s30;
	s0 =	sadd.s32 s31, s28  }
0xbc: {  	s1 =	sor.u32 s2, s1;
	s0 =	sshll.u32 s0, $0x11  }
0xbd: {  	s0 =	sor.u32 s0, s1  }
0xbe: {  	s0 =	sadd.s32 $0x8F2B, s0  }
0xbf: {  	[sflag:s0] =	ssyncadd.remote.s32 $0x1  }
0xc0: {  	_ =	sfence.sel $0xFFFF  }
0xc1: {  	[dreg:$0x0] =	wrdreg $0xFFFFFFFF;
	(pc) =	sbr.abs _section_cstart, $3  }
0xc2: {  	[dreg:$0x1] =	wrdreg $0xFFFFFFFF  }
0xc3: {  	_ =	task.clear_ibuf [dreg:s7], $0x2FFFF;
	_ =	strace $0x9FFFFFFF  }
0xc4: {  	(tm) =	ssettm $0x7FFFFFFF  }
0xc5: {  	_ =	shalt  }
tec
execute0_lowered:
.L_overlay_start_1:
0x0: {  	(tag) =	ssettag $0x1  }
0x1: {  	s2 =	rddreg [dreg:$0x0]  }
0x2: {  	s3 =	rddreg [dreg:$0x1]  }
0x3: {  	s4 =	rddreg [dreg:$0x2]  }
0x4: {  	s5 =	rddreg [dreg:$0x3];
	s6 =	simm.s32 $0x0;
	s1 =	stileid.u32  }
0x5: {  	[smem:$0x7FF] =	sst s6;
	s7 =	sshll.u32 s1, $0x5  }
0x6: {  	s0 =	rddreg [dreg:$0x4];
	_ =	strace $0x80000047;
	s2 =	sadd.s32 s2, s7  }
0x7: {  	[tilespmem:s6], [sflag:$0x1] =	stream.linear.gather [hbm4b:s2+s6], $0x100, $0x38;
	[tilespmem:$0x480] =	vst v63  }
0x8: {  	s19 =	simm.s32 $0x100;
	s18 =	sadd.s32 s3, s7  }
0x9: {  	[tilespmem:s19], [sflag:$0x2] =	stream.linear.gather [hbm4b:s18+s6], $0x100, $0x38;
	[tilespmem:$0x480] =	vst v63  }
0xa: {  	s21 =	simm.s32 $0x200;
	s20 =	sadd.s32 s4, s7  }
0xb: {  	v0 =	vimm.f32 $0.0e+00;
	[tilespmem:s21], [sflag:$0x3] =	stream.linear.gather [hbm4b:s20+s6], $0x100, $0x38;
	[tilespmem:$0x480] =	vst v63  }
0xc: {  	[tilespmem:$0x300] =	vst v0  }
0xd: {  	[tilespmem:$0x310] =	vst v0  }
0xe: {  	[tilespmem:$0x320] =	vst v0  }
0xf: {  	[tilespmem:$0x330] =	vst v0  }
0x10: {  	[tilespmem:$0x340] =	vst v0  }
0x11: {  	[tilespmem:$0x350] =	vst v0  }
0x12: {  	[tilespmem:$0x360] =	vst v0  }
0x13: {  	[tilespmem:$0x370] =	vst v0  }
0x14: {  	[tilespmem:$0x380] =	vst v0  }
0x15: {  	[tilespmem:$0x390] =	vst v0  }
0x16: {  	[tilespmem:$0x3A0] =	vst v0  }
0x17: {  	[tilespmem:$0x3B0] =	vst v0  }
0x18: {  	[tilespmem:$0x3C0] =	vst v0  }
0x19: {  	[tilespmem:$0x3D0] =	vst v0  }
0x1a: {  	[tilespmem:$0x3E0] =	vst v0  }
0x1b: {  	[tilespmem:$0x3F0] =	vst v0  }
0x1c: {  	[tilespmem:$0x400] =	vst v0  }
0x1d: {  	[tilespmem:$0x410] =	vst v0  }
0x1e: {  	[tilespmem:$0x420] =	vst v0  }
0x1f: {  	[tilespmem:$0x430] =	vst v0  }
0x20: {  	[tilespmem:$0x440] =	vst v0  }
0x21: {  	[tilespmem:$0x450] =	vst v0  }
0x22: {  	[tilespmem:$0x460] =	vst v0  }
0x23: {  	s22 =	simm.s32 $0x1;
	[tilespmem:$0x470] =	vst v0  }
0x24: {  	_ =	swait.ge [sflag:s22], $0x100  }
0x25: {  	[sflag:s22] =	ssyncset.done $0x0  }
0x26: {  	s24 =	simm.s32 $0x2;
	s23 =	sshrl.u32 s1, $0x3;
	[sflag:s22] =	ssyncadd.s32 $0xFFFFFF00  }
0x27: {  	s25 =	sshll.u32 s1, $0x7;
	s3 =	smul.u32 $0xC00, s23;
	_ =	swait.ge [sflag:s24], $0x100  }
0x28: {  	s26 =	simm.s32 $0x3;
	s4 =	sand.u32 $0x380, s25;
	[sflag:s24] =	ssyncset.done $0x0  }
0x29: {  	s28 =	simm.s32 $0x80;
	s3 =	sor.u32 s4, s3;
	[sflag:s24] =	ssyncadd.s32 $0xFFFFFF00  }
0x2a: {  	s29 =	simm.s32 $0x400;
	s3 =	sshrl.u32 s3, $0x3;
	_ =	swait.ge [sflag:s26], $0x100  }
0x2b: {  	s30 =	simm.s32 $0x300;
	s3 =	sadd.s32 s3, s5;
	[sflag:s26] =	ssyncset.done $0x0  }
0x2c: {  	s31 =	simm.s32 $0x4;
	s3 =	sadd.s32 $0x600, s3;
	[sflag:s26] =	ssyncadd.s32 $0xFFFFFF00  }
0x2d: {  	[hbm4b:s3+s28] =	stream.strided.scatter [tilespmem:s30], [sflag:$0x4], $0x180, s29, s28, $0x38;
	[tilespmem:$0x480] =	vst v63  }
0x2e: {  	_ =	swait.ge [sflag:s31], $0x180  }
0x2f: {  	[sflag:s31] =	ssyncset.done $0x0  }
0x30: {  	[sflag:s31] =	ssyncadd.s32 $0xFFFFFE80  }
0x31: {  	_ =	sfence.sel $0x180000  }
0x32: {  	[bflag:$0x0] =	sbarrier.arrive $0xFFFF  }
0x33: {  	p0 =	sne.s32 s1, $0x0;
	_ =	strace $0x90000047  }
0x34: {  	s0 =	sadd.s32 @!p0 $0x100000, s0;
	[bflag:$0x2] =	sbarrier.arrive $0xFFFF  }
0x35: {  	[sflag:s0] =	ssyncadd.tile.s32 @!p0 $0x1;
	_ =	shalt  }
.Lfunc_end2:
_tile_overlayer_lowered:
.L_overlay_start_2:
0x36: {  	(tag) =	ssettag $0x2  }
0x37: {  	s0 =	rddreg [dreg:$0x0];
	s2 =	stileid.u32  }
0x38: {  	s1 =	rddreg [dreg:$0x1];
	p0 =	sne.s32 s2, $0x0  }
0x39: {  	s3 =	rddreg [dreg:$0x2];
	[bflag:$0x3] =	sbarrier.arrive $0xFFFF;
	s2 =	simm.s32 @!p0 $0x1C04  }
0x3a: {  	[timem:s3], [sflag:s2] =	dma.local @!p0 [hbm:s0], s1  }
0x3b: {  	s0 =	simm.s32 @!p0 $0x4  }
0x3c: {  	_ =	swait.ge @!p0 [sflag:s0], s1  }
0x3d: {  	s1 =	ssub.s32 @!p0 $0x0, s1;
	[sflag:s0] =	ssyncset.done @!p0 $0x0  }
0x3e: {  	[sflag:s0] =	ssyncadd.s32 @!p0 s1  }
0x3f: {  	[bflag:$0x3] =	sbarrier.arrive $0xFFFF  }
0x40: {  	_ =	shalt  }

</sc_bundles>
